<compile_context>
chip_gen: v7x
topology: tpu7x:2x2x1
jax: 0.10.2.dev20260603
libtpu: 0.0.44.dev20260713+nightly
codegen_flags: <defaults>
</compile_context>

<pallas_src>
import jax
import jax.numpy as jnp
from jax import lax
from jax.experimental import pallas as pl
from jax.experimental.pallas import tpu as pltpu
from jax.experimental.pallas import tpu_sc as plsc

N_NODES = 10000
D = 128
NC, NS = 2, 16
H = D // NC
NPAD = 10240
RPT = NPAD // NS
CH = 128
TRASH = N_NODES + 8


def _sc_aggregate(x2, src2, dst2):
  nrows = src2.shape[0]
  cpt = nrows // NS
  mesh = plsc.VectorSubcoreMesh(
      core_axis_name="c", subcore_axis_name="s",
      num_cores=NC, num_subcores=NS)

  def body(x_hbm, src_hbm, dst_hbm, agg_hbm, deg_hbm,
           acc, degacc, src_v, dst_v, rows_v, ones_v, zrow_v, zdeg_v):
    c = lax.axis_index("c")
    s = lax.axis_index("s")

    z16 = jnp.zeros((16,), jnp.float32)
    o16 = jnp.ones((16,), jnp.float32)

    def zrow_body(i, carry):
      for u in range(H // 16):
        zrow_v[i, pl.ds(u * 16, 16)] = z16
      return carry
    lax.fori_loop(0, zrow_v.shape[0], zrow_body, 0)

    def zdeg_body(i, carry):
      zdeg_v[pl.ds(i * 16, 16)] = z16
      return carry
    lax.fori_loop(0, RPT // 16, zdeg_body, 0)

    def ones_body(i, carry):
      ones_v[pl.ds(i * 16, 16)] = o16
      return carry
    lax.fori_loop(0, CH // 16, ones_body, 0)

    base_r = s * RPT
    half = zrow_v.shape[0]
    pltpu.sync_copy(zrow_v, acc.at[pl.ds(base_r, half)])
    pltpu.sync_copy(zrow_v, acc.at[pl.ds(base_r + half, half)])
    pltpu.sync_copy(zdeg_v, degacc.at[pl.ds(base_r, RPT)])

    row0 = s * cpt
    pltpu.sync_copy(src_hbm.at[pl.ds(row0, cpt)], src_v)
    pltpu.sync_copy(dst_hbm.at[pl.ds(row0, cpt)], dst_v)

    plsc.subcore_barrier()

    xc = x_hbm.at[c]

    def edge_body(k, carry):
      pltpu.sync_copy(xc.at[dst_v.at[k]], rows_v)
      pltpu.sync_copy(rows_v, acc.at[src_v.at[k]], add=True)
      pltpu.sync_copy(ones_v, degacc.at[src_v.at[k]], add=True)
      return carry
    lax.fori_loop(0, cpt, edge_body, 0)

    plsc.subcore_barrier()

    pltpu.sync_copy(acc.at[pl.ds(base_r, RPT)],
                    agg_hbm.at[c, pl.ds(base_r, RPT)])
    pltpu.sync_copy(degacc.at[pl.ds(base_r, RPT)],
                    deg_hbm.at[c, pl.ds(base_r, RPT)])

  run = pl.kernel(
      body,
      out_type=[
          jax.ShapeDtypeStruct((NC, NPAD, H), jnp.float32),
          jax.ShapeDtypeStruct((NC, NPAD), jnp.float32),
      ],
      mesh=mesh,
      scratch_types=[
          pltpu.VMEM_SHARED((NPAD, H), jnp.float32),
          pltpu.VMEM_SHARED((NPAD,), jnp.float32),
          pltpu.VMEM((cpt, CH), jnp.int32),
          pltpu.VMEM((cpt, CH), jnp.int32),
          pltpu.VMEM((CH, H), jnp.float32),
          pltpu.VMEM((CH,), jnp.float32),
          pltpu.VMEM((RPT // 2, H), jnp.float32),
          pltpu.VMEM((RPT,), jnp.float32),
      ],
      compiler_params=pltpu.CompilerParams(use_tc_tiling_on_sc=False),
  )
  return run(x2, src2, dst2)


def _tc_finish(agg, deg, W):
  blk = 640

  def body(a_ref, d_ref, w_ref, o_ref):
    a = jnp.concatenate([a_ref[0], a_ref[1]], axis=1)
    d = d_ref[0]
    inv = 1.0 / jnp.maximum(d, 1.0)
    m = a * inv[:, None]
    o_ref[...] = jnp.maximum(
        jnp.dot(m, w_ref[...], preferred_element_type=jnp.float32), 0.0)

  return pl.pallas_call(
      body,
      grid=(NPAD // blk,),
      in_specs=[
          pl.BlockSpec((NC, blk, H), lambda i: (0, i, 0)),
          pl.BlockSpec((NC, blk), lambda i: (0, i)),
          pl.BlockSpec((D, D), lambda i: (0, 0)),
      ],
      out_specs=pl.BlockSpec((blk, D), lambda i: (i, 0)),
      out_shape=jax.ShapeDtypeStruct((NPAD, D), jnp.float32),
  )(agg, deg, W)


def kernel(input_matrix, adjacency_coo_matrix, W):
  n_edges = adjacency_coo_matrix.shape[1]
  quantum = NS * CH * 8
  epad = ((n_edges + quantum - 1) // quantum) * quantum
  pad = epad - n_edges
  src = adjacency_coo_matrix[0]
  dst = adjacency_coo_matrix[1]
  src_p = jnp.concatenate(
      [src, jnp.full((pad,), TRASH, jnp.int32)]).reshape(epad // CH, CH)
  dst_p = jnp.concatenate(
      [dst, jnp.zeros((pad,), jnp.int32)]).reshape(epad // CH, CH)
  x2 = jnp.transpose(input_matrix.reshape(N_NODES, NC, H), (1, 0, 2))
  agg, deg = _sc_aggregate(x2, src_p, dst_p)
  out = _tc_finish(agg, deg, W)
  return out[:N_NODES]

# --- scband reference (transcript-rebuilt; emitter-appended) ---
"""Pipeline reference for scband-graph-sagelayer-90890097918585 (READ-ONLY COPY).

The authoritative reference and input builder live on the scoring server;
editing this copy changes nothing except your own understanding.
"""

import jax, jax.numpy as jnp
import numpy as np

N_NODES = 10000
N_EDGES = 320000
D_IN = 128
D_OUT = 128


def setup_inputs(seed: int = 0) -> dict:
    key = jax.random.key(seed)
    k1, k2, k3 = jax.random.split(key, 3)
    input_matrix = jax.random.normal(k1, (N_NODES, D_IN), dtype=jnp.float32)
    adjacency_coo_matrix = jax.random.randint(k2, (2, N_EDGES), 0, N_NODES, dtype=jnp.int32)
    # xavier_uniform init for weights_matrix [D_IN, D_OUT]
    a = float(np.sqrt(6.0 / (D_IN + D_OUT)))
    W = jax.random.uniform(k3, (D_IN, D_OUT), dtype=jnp.float32, minval=-a, maxval=a)
    return {"input_matrix": input_matrix, "adjacency_coo_matrix": adjacency_coo_matrix, "W": W}


def reference(input_matrix, adjacency_coo_matrix, W):
    # GraphSAGE mean-aggregation layer
    edge_src_idxs = adjacency_coo_matrix[0]
    edge_dst_idxs = adjacency_coo_matrix[1]
    # gather neighbor (dst) features per edge
    neighbors = jnp.take(input_matrix, edge_dst_idxs, axis=0)
    # scatter-add neighbor features onto src nodes, then divide by degree -> mean aggregation
    agg_sum = jax.ops.segment_sum(neighbors, edge_src_idxs, num_segments=N_NODES)
    deg = jax.ops.segment_sum(jnp.ones((N_EDGES,), dtype=jnp.float32), edge_src_idxs, num_segments=N_NODES)
    agg_mean = agg_sum / jnp.clip(deg, 1.0, None)[:, None]
    # linear transform + nonlinearity
    out = jax.nn.relu(agg_mean @ W)
    return out

if __name__ == "__main__":
    import jax
    _d = setup_inputs()
    print(jax.jit(kernel)(*tuple(_d.values())))

</pallas_src>

<mosaic_0001>
#map = affine_map<(d0, d1) -> (0, 0, 0)>
#map1 = affine_map<(d0, d1) -> (0, 0)>
module attributes {stable_mosaic.version = 14 : i64} {
  func.func @body(%arg0: i32, %arg1: i32, %arg2: memref<2x10000x64xf32, #tpu.memory_space<hbm>>, %arg3: memref<2560x128xi32, #tpu.memory_space<hbm>>, %arg4: memref<2560x128xi32, #tpu.memory_space<hbm>>, %arg5: memref<2x10240x64xf32, #tpu.memory_space<hbm>>, %arg6: memref<2x10240xf32, #tpu.memory_space<hbm>>, %arg7: memref<10240x64xf32, #tpu.memory_space<vmem_shared>>, %arg8: memref<10240xf32, #tpu.memory_space<vmem_shared>>, %arg9: memref<160x128xi32, #tpu.memory_space<vmem>>, %arg10: memref<160x128xi32, #tpu.memory_space<vmem>>, %arg11: memref<128x64xf32, #tpu.memory_space<vmem>>, %arg12: memref<128xf32, #tpu.memory_space<vmem>>, %arg13: memref<320x64xf32, #tpu.memory_space<vmem>>, %arg14: memref<640xf32, #tpu.memory_space<vmem>>) attributes {dimension_semantics = [#tpu.dimension_semantics<core_parallel>, #tpu.dimension_semantics<subcore_parallel>], iteration_bounds = array<i64: 2, 16>, scalar_prefetch = 0 : i64, scratch_operands = 8 : i64, tpu.core_type = #tpu.core_type<sc_vector_subcore>, window_params = [{transform_indices = #map}, {transform_indices = #map1}, {transform_indices = #map1}, {transform_indices = #map}, {transform_indices = #map1}]} {
    %broadcast_in_dim3A = arith.constant 0.000000e+00 : f32
    %broadcast_in_dim3A_0 = vector.broadcast %broadcast_in_dim3A : f32 to vector<16xf32>
    %broadcast_in_dim3A_1 = arith.constant 1.000000e+00 : f32
    %broadcast_in_dim3A_2 = vector.broadcast %broadcast_in_dim3A_1 : f32 to vector<16xf32>
    %scan3A = arith.constant 0 : i32
    %scan3A_3 = arith.constant 0 : i32
    %scan3A_4 = arith.constant 320 : i32
    %scan3A_5 = arith.addi %scan3A_3, %scan3A_4 : i32
    %scan3A_6 = arith.constant 1 : i32
    scf.for %scan3A_31 = %scan3A_3 to %scan3A_5 step %scan3A_6  : i32 {
      %swap3A = arith.index_cast %scan3A_31 : i32 to index
      %swap3A_32 = arith.constant 0 : index
      %swap3A_33 = tpu.vector_load %arg13[%swap3A, %swap3A_32] {strides = array<i32>} : memref<320x64xf32, #tpu.memory_space<vmem>>, vector<1x16xf32>,
      %swap3A_34 = vector.shape_cast %swap3A_33 : vector<1x16xf32> to vector<16xf32>
      %swap3A_35 = vector.shape_cast %broadcast_in_dim3A_0 : vector<16xf32> to vector<1x16xf32>
      tpu.vector_store %arg13[%swap3A, %swap3A_32], %swap3A_35 {strides = array<i32>} : memref<320x64xf32, #tpu.memory_space<vmem>>, vector<1x16xf32>,
      %swap3A_36 = arith.index_cast %scan3A_31 : i32 to index
      %swap3A_37 = arith.constant 16 : index
      %swap3A_38 = tpu.vector_load %arg13[%swap3A_36, %swap3A_37] {strides = array<i32>} : memref<320x64xf32, #tpu.memory_space<vmem>>, vector<1x16xf32>,
      %swap3A_39 = vector.shape_cast %swap3A_38 : vector<1x16xf32> to vector<16xf32>
      %swap3A_40 = vector.shape_cast %broadcast_in_dim3A_0 : vector<16xf32> to vector<1x16xf32>
      tpu.vector_store %arg13[%swap3A_36, %swap3A_37], %swap3A_40 {strides = array<i32>} : memref<320x64xf32, #tpu.memory_space<vmem>>, vector<1x16xf32>,
      %swap3A_41 = arith.index_cast %scan3A_31 : i32 to index
      %swap3A_42 = arith.constant 32 : index
      %swap3A_43 = tpu.vector_load %arg13[%swap3A_41, %swap3A_42] {strides = array<i32>} : memref<320x64xf32, #tpu.memory_space<vmem>>, vector<1x16xf32>,
      %swap3A_44 = vector.shape_cast %swap3A_43 : vector<1x16xf32> to vector<16xf32>
      %swap3A_45 = vector.shape_cast %broadcast_in_dim3A_0 : vector<16xf32> to vector<1x16xf32>
      tpu.vector_store %arg13[%swap3A_41, %swap3A_42], %swap3A_45 {strides = array<i32>} : memref<320x64xf32, #tpu.memory_space<vmem>>, vector<1x16xf32>,
      %swap3A_46 = arith.index_cast %scan3A_31 : i32 to index
      %swap3A_47 = arith.constant 48 : index
      %swap3A_48 = tpu.vector_load %arg13[%swap3A_46, %swap3A_47] {strides = array<i32>} : memref<320x64xf32, #tpu.memory_space<vmem>>, vector<1x16xf32>,
      %swap3A_49 = vector.shape_cast %swap3A_48 : vector<1x16xf32> to vector<16xf32>
      %swap3A_50 = vector.shape_cast %broadcast_in_dim3A_0 : vector<16xf32> to vector<1x16xf32>
      tpu.vector_store %arg13[%swap3A_46, %swap3A_47], %swap3A_50 {strides = array<i32>} : memref<320x64xf32, #tpu.memory_space<vmem>>, vector<1x16xf32>,
    }
    %scan3A_7 = arith.constant 320 : i32
    %scan3A_8 = arith.constant 0 : i32
    %scan3A_9 = arith.constant 0 : i32
    %scan3A_10 = arith.constant 40 : i32
    %scan3A_11 = arith.addi %scan3A_9, %scan3A_10 : i32
    %scan3A_12 = arith.constant 1 : i32
    scf.for %scan3A_31 = %scan3A_9 to %scan3A_11 step %scan3A_12  : i32 {
      %mul3A_32 = arith.constant 16 : i32
      %mul3A_33 = arith.muli %scan3A_31, %mul3A_32 : i32
      %swap3A = arith.index_cast %mul3A_33 : i32 to index
      %swap3A_34 = tpu.vector_load %arg14[%swap3A] {strides = array<i32>} : memref<640xf32, #tpu.memory_space<vmem>>, vector<16xf32>,
      %swap3A_35 = vector.shape_cast %swap3A_34 : vector<16xf32> to vector<16xf32>
      %swap3A_36 = vector.shape_cast %broadcast_in_dim3A_0 : vector<16xf32> to vector<16xf32>
      tpu.vector_store %arg14[%swap3A], %swap3A_36 {strides = array<i32>} : memref<640xf32, #tpu.memory_space<vmem>>, vector<16xf32>,
    }
    %scan3A_13 = arith.constant 40 : i32
    %scan3A_14 = arith.constant 0 : i32
    %scan3A_15 = arith.constant 0 : i32
    %scan3A_16 = arith.constant 8 : i32
    %scan3A_17 = arith.addi %scan3A_15, %scan3A_16 : i32
    %scan3A_18 = arith.constant 1 : i32
    scf.for %scan3A_31 = %scan3A_15 to %scan3A_17 step %scan3A_18  : i32 {
      %mul3A_32 = arith.constant 16 : i32
      %mul3A_33 = arith.muli %scan3A_31, %mul3A_32 : i32
      %swap3A = arith.index_cast %mul3A_33 : i32 to index
      %swap3A_34 = tpu.vector_load %arg12[%swap3A] {strides = array<i32>} : memref<128xf32, #tpu.memory_space<vmem>>, vector<16xf32>,
      %swap3A_35 = vector.shape_cast %swap3A_34 : vector<16xf32> to vector<16xf32>
      %swap3A_36 = vector.shape_cast %broadcast_in_dim3A_2 : vector<16xf32> to vector<16xf32>
      tpu.vector_store %arg12[%swap3A], %swap3A_36 {strides = array<i32>} : memref<128xf32, #tpu.memory_space<vmem>>, vector<16xf32>,
    }
    %scan3A_19 = arith.constant 8 : i32
    %mul3A = arith.constant 640 : i32
    %mul3A_20 = arith.muli %arg1, %mul3A : i32
    "tpu.region"() ({
      %run_scoped3A = tpu.sem_alloc : memref<!tpu.dma_semaphore, #tpu.memory_space<semaphore_mem>>
      %dma_start3A = arith.constant 0 : i32
      %dma_start3A_31 = tpu.memref_slice %arg7[%mul3A_20, %dma_start3A] : memref<10240x64xf32, #tpu.memory_space<vmem_shared>> -> memref<320x64xf32, #tpu.memory_space<vmem_shared>>
      %dma_start3A_32 = arith.constant 0 : i32
      %dma_start3A_33 = tpu.memref_slice %arg7[%mul3A_20, %dma_start3A_32] : memref<10240x64xf32, #tpu.memory_space<vmem_shared>> -> memref<320x64xf32, #tpu.memory_space<vmem_shared>>
      tpu.enqueue_dma source(%arg13 : memref<320x64xf32, #tpu.memory_space<vmem>>) target(%dma_start3A_33 : memref<320x64xf32, #tpu.memory_space<vmem_shared>>) target_semaphore(%run_scoped3A : memref<!tpu.dma_semaphore, #tpu.memory_space<semaphore_mem>>)
      %dma_wait3A = arith.constant 0 : i32
      %dma_wait3A_34 = tpu.memref_slice %arg7[%mul3A_20, %dma_wait3A] : memref<10240x64xf32, #tpu.memory_space<vmem_shared>> -> memref<320x64xf32, #tpu.memory_space<vmem_shared>>
      %dma_wait3A_35 = arith.constant 0 : i32
      %dma_wait3A_36 = tpu.memref_slice %arg7[%mul3A_20, %dma_wait3A_35] : memref<10240x64xf32, #tpu.memory_space<vmem_shared>> -> memref<320x64xf32, #tpu.memory_space<vmem_shared>>
      tpu.wait_dma2 semaphore(%run_scoped3A : memref<!tpu.dma_semaphore, #tpu.memory_space<semaphore_mem>>) src(%arg13 : memref<320x64xf32, #tpu.memory_space<vmem>>) dst(%dma_wait3A_36 : memref<320x64xf32, #tpu.memory_space<vmem_shared>>)
      tpu.yield
    }) : () -> ()
    %add3A = arith.constant 320 : i32
    %add3A_21 = arith.addi %mul3A_20, %add3A : i32
    "tpu.region"() ({
      %run_scoped3A = tpu.sem_alloc : memref<!tpu.dma_semaphore, #tpu.memory_space<semaphore_mem>>
      %dma_start3A = arith.constant 0 : i32
      %dma_start3A_31 = tpu.memref_slice %arg7[%add3A_21, %dma_start3A] : memref<10240x64xf32, #tpu.memory_space<vmem_shared>> -> memref<320x64xf32, #tpu.memory_space<vmem_shared>>
      %dma_start3A_32 = arith.constant 0 : i32
      %dma_start3A_33 = tpu.memref_slice %arg7[%add3A_21, %dma_start3A_32] : memref<10240x64xf32, #tpu.memory_space<vmem_shared>> -> memref<320x64xf32, #tpu.memory_space<vmem_shared>>
      tpu.enqueue_dma source(%arg13 : memref<320x64xf32, #tpu.memory_space<vmem>>) target(%dma_start3A_33 : memref<320x64xf32, #tpu.memory_space<vmem_shared>>) target_semaphore(%run_scoped3A : memref<!tpu.dma_semaphore, #tpu.memory_space<semaphore_mem>>)
      %dma_wait3A = arith.constant 0 : i32
      %dma_wait3A_34 = tpu.memref_slice %arg7[%add3A_21, %dma_wait3A] : memref<10240x64xf32, #tpu.memory_space<vmem_shared>> -> memref<320x64xf32, #tpu.memory_space<vmem_shared>>
      %dma_wait3A_35 = arith.constant 0 : i32
      %dma_wait3A_36 = tpu.memref_slice %arg7[%add3A_21, %dma_wait3A_35] : memref<10240x64xf32, #tpu.memory_space<vmem_shared>> -> memref<320x64xf32, #tpu.memory_space<vmem_shared>>
      tpu.wait_dma2 semaphore(%run_scoped3A : memref<!tpu.dma_semaphore, #tpu.memory_space<semaphore_mem>>) src(%arg13 : memref<320x64xf32, #tpu.memory_space<vmem>>) dst(%dma_wait3A_36 : memref<320x64xf32, #tpu.memory_space<vmem_shared>>)
      tpu.yield
    }) : () -> ()
    "tpu.region"() ({
      %run_scoped3A = tpu.sem_alloc : memref<!tpu.dma_semaphore, #tpu.memory_space<semaphore_mem>>
      %dma_start3A = tpu.memref_slice %arg8[%mul3A_20] : memref<10240xf32, #tpu.memory_space<vmem_shared>> -> memref<640xf32, #tpu.memory_space<vmem_shared>>
      %dma_start3A_31 = tpu.memref_slice %arg8[%mul3A_20] : memref<10240xf32, #tpu.memory_space<vmem_shared>> -> memref<640xf32, #tpu.memory_space<vmem_shared>>
      tpu.enqueue_dma source(%arg14 : memref<640xf32, #tpu.memory_space<vmem>>) target(%dma_start3A_31 : memref<640xf32, #tpu.memory_space<vmem_shared>>) target_semaphore(%run_scoped3A : memref<!tpu.dma_semaphore, #tpu.memory_space<semaphore_mem>>)
      %dma_wait3A = tpu.memref_slice %arg8[%mul3A_20] : memref<10240xf32, #tpu.memory_space<vmem_shared>> -> memref<640xf32, #tpu.memory_space<vmem_shared>>
      %dma_wait3A_32 = tpu.memref_slice %arg8[%mul3A_20] : memref<10240xf32, #tpu.memory_space<vmem_shared>> -> memref<640xf32, #tpu.memory_space<vmem_shared>>
      tpu.wait_dma2 semaphore(%run_scoped3A : memref<!tpu.dma_semaphore, #tpu.memory_space<semaphore_mem>>) src(%arg14 : memref<640xf32, #tpu.memory_space<vmem>>) dst(%dma_wait3A_32 : memref<640xf32, #tpu.memory_space<vmem_shared>>)
      tpu.yield
    }) : () -> ()
    %mul3A_22 = arith.constant 160 : i32
    %mul3A_23 = arith.muli %arg1, %mul3A_22 : i32
    "tpu.region"() ({
      %run_scoped3A = tpu.sem_alloc : memref<!tpu.dma_semaphore, #tpu.memory_space<semaphore_mem>>
      %dma_start3A = arith.constant 0 : i32
      %dma_start3A_31 = tpu.memref_slice %arg3[%mul3A_23, %dma_start3A] : memref<2560x128xi32, #tpu.memory_space<hbm>> -> memref<160x128xi32, #tpu.memory_space<hbm>>
      %dma_start3A_32 = arith.constant 0 : i32
      %dma_start3A_33 = tpu.memref_slice %arg3[%mul3A_23, %dma_start3A_32] : memref<2560x128xi32, #tpu.memory_space<hbm>> -> memref<160x128xi32, #tpu.memory_space<hbm>>
      tpu.enqueue_dma source(%dma_start3A_33 : memref<160x128xi32, #tpu.memory_space<hbm>>) target(%arg9 : memref<160x128xi32, #tpu.memory_space<vmem>>) target_semaphore(%run_scoped3A : memref<!tpu.dma_semaphore, #tpu.memory_space<semaphore_mem>>)
      %dma_wait3A = arith.constant 0 : i32
      %dma_wait3A_34 = tpu.memref_slice %arg3[%mul3A_23, %dma_wait3A] : memref<2560x128xi32, #tpu.memory_space<hbm>> -> memref<160x128xi32, #tpu.memory_space<hbm>>
      %dma_wait3A_35 = arith.constant 0 : i32
      %dma_wait3A_36 = tpu.memref_slice %arg3[%mul3A_23, %dma_wait3A_35] : memref<2560x128xi32, #tpu.memory_space<hbm>> -> memref<160x128xi32, #tpu.memory_space<hbm>>
      tpu.wait_dma2 semaphore(%run_scoped3A : memref<!tpu.dma_semaphore, #tpu.memory_space<semaphore_mem>>) src(%dma_wait3A_36 : memref<160x128xi32, #tpu.memory_space<hbm>>) dst(%arg9 : memref<160x128xi32, #tpu.memory_space<vmem>>)
      tpu.yield
    }) : () -> ()
    "tpu.region"() ({
      %run_scoped3A = tpu.sem_alloc : memref<!tpu.dma_semaphore, #tpu.memory_space<semaphore_mem>>
      %dma_start3A = arith.constant 0 : i32
      %dma_start3A_31 = tpu.memref_slice %arg4[%mul3A_23, %dma_start3A] : memref<2560x128xi32, #tpu.memory_space<hbm>> -> memref<160x128xi32, #tpu.memory_space<hbm>>
      %dma_start3A_32 = arith.constant 0 : i32
      %dma_start3A_33 = tpu.memref_slice %arg4[%mul3A_23, %dma_start3A_32] : memref<2560x128xi32, #tpu.memory_space<hbm>> -> memref<160x128xi32, #tpu.memory_space<hbm>>
      tpu.enqueue_dma source(%dma_start3A_33 : memref<160x128xi32, #tpu.memory_space<hbm>>) target(%arg10 : memref<160x128xi32, #tpu.memory_space<vmem>>) target_semaphore(%run_scoped3A : memref<!tpu.dma_semaphore, #tpu.memory_space<semaphore_mem>>)
      %dma_wait3A = arith.constant 0 : i32
      %dma_wait3A_34 = tpu.memref_slice %arg4[%mul3A_23, %dma_wait3A] : memref<2560x128xi32, #tpu.memory_space<hbm>> -> memref<160x128xi32, #tpu.memory_space<hbm>>
      %dma_wait3A_35 = arith.constant 0 : i32
      %dma_wait3A_36 = tpu.memref_slice %arg4[%mul3A_23, %dma_wait3A_35] : memref<2560x128xi32, #tpu.memory_space<hbm>> -> memref<160x128xi32, #tpu.memory_space<hbm>>
      tpu.wait_dma2 semaphore(%run_scoped3A : memref<!tpu.dma_semaphore, #tpu.memory_space<semaphore_mem>>) src(%dma_wait3A_36 : memref<160x128xi32, #tpu.memory_space<hbm>>) dst(%arg10 : memref<160x128xi32, #tpu.memory_space<vmem>>)
      tpu.yield
    }) : () -> ()
    %barrier3A = arith.constant 0 : index
    tpu.barrier barrier_id(%barrier3A)
    %scan3A_24 = arith.constant 0 : i32
    %scan3A_25 = arith.constant 0 : i32
    %scan3A_26 = arith.constant 160 : i32
    %scan3A_27 = arith.addi %scan3A_25, %scan3A_26 : i32
    %scan3A_28 = arith.constant 1 : i32
    scf.for %scan3A_31 = %scan3A_25 to %scan3A_27 step %scan3A_28  : i32 {
      "tpu.region"() ({
        %run_scoped3A = tpu.sem_alloc : memref<!tpu.dma_semaphore, #tpu.memory_space<semaphore_mem>>
        %dma_start3A = arith.constant 0 : i32
        %dma_start3A_32 = tpu.memref_slice %arg10[%scan3A_31, %dma_start3A] : memref<160x128xi32, #tpu.memory_space<vmem>> -> memref<1x128xi32, #tpu.memory_space<vmem>>
        %dma_start3A_33 = tpu.memref_squeeze %dma_start3A_32 : memref<1x128xi32, #tpu.memory_space<vmem>> -> memref<128xi32, #tpu.memory_space<vmem>>
        %dma_start3A_34 = arith.constant 0 : i32
        %dma_start3A_35 = arith.constant 0 : i32
        %dma_start3A_36 = tpu.memref_slice %arg2[%arg0, %dma_start3A_34, %dma_start3A_35] : memref<2x10000x64xf32, #tpu.memory_space<hbm>> -> memref<1x10000x64xf32, #tpu.memory_space<hbm>>
        %dma_start3A_37 = tpu.memref_squeeze %dma_start3A_36 : memref<1x10000x64xf32, #tpu.memory_space<hbm>> -> memref<10000x64xf32, #tpu.memory_space<hbm>>
        %dma_start3A_38 = arith.constant 0 : i32
        %dma_start3A_39 = arith.constant 0 : i32
        %dma_start3A_40 = tpu.memref_slice %dma_start3A_37[%dma_start3A_38, %dma_start3A_39] : memref<10000x64xf32, #tpu.memory_space<hbm>> -> memref<10000x64xf32, #tpu.memory_space<hbm>>
        tpu.enqueue_indirect_dma source(%dma_start3A_40 : memref<10000x64xf32, #tpu.memory_space<hbm>>) target(%arg11 : memref<128x64xf32, #tpu.memory_space<vmem>>) offsets(%dma_start3A_33 : memref<128xi32, #tpu.memory_space<vmem>>) semaphore(%run_scoped3A : memref<!tpu.dma_semaphore, #tpu.memory_space<semaphore_mem>>)
        %dma_wait3A = arith.constant 0 : i32
        %dma_wait3A_41 = tpu.memref_slice %arg10[%scan3A_31, %dma_wait3A] : memref<160x128xi32, #tpu.memory_space<vmem>> -> memref<1x128xi32, #tpu.memory_space<vmem>>
        %dma_wait3A_42 = tpu.memref_squeeze %dma_wait3A_41 : memref<1x128xi32, #tpu.memory_space<vmem>> -> memref<128xi32, #tpu.memory_space<vmem>>
        %dma_wait3A_43 = arith.constant 0 : i32
        %dma_wait3A_44 = arith.constant 0 : i32
        %dma_wait3A_45 = tpu.memref_slice %arg2[%arg0, %dma_wait3A_43, %dma_wait3A_44] : memref<2x10000x64xf32, #tpu.memory_space<hbm>> -> memref<1x10000x64xf32, #tpu.memory_space<hbm>>
        %dma_wait3A_46 = tpu.memref_squeeze %dma_wait3A_45 : memref<1x10000x64xf32, #tpu.memory_space<hbm>> -> memref<10000x64xf32, #tpu.memory_space<hbm>>
        %dma_wait3A_47 = arith.constant 0 : i32
        %dma_wait3A_48 = arith.constant 0 : i32
        %dma_wait3A_49 = tpu.memref_slice %dma_wait3A_46[%dma_wait3A_47, %dma_wait3A_48] : memref<10000x64xf32, #tpu.memory_space<hbm>> -> memref<10000x64xf32, #tpu.memory_space<hbm>>
        tpu.wait_indirect_dma semaphore(%run_scoped3A : memref<!tpu.dma_semaphore, #tpu.memory_space<semaphore_mem>>) src(%dma_wait3A_49 : memref<10000x64xf32, #tpu.memory_space<hbm>>) dst(%arg11 : memref<128x64xf32, #tpu.memory_space<vmem>>)
        tpu.yield
      }) : () -> ()
      "tpu.region"() ({
        %run_scoped3A = tpu.sem_alloc : memref<!tpu.dma_semaphore, #tpu.memory_space<semaphore_mem>>
        %dma_start3A = arith.constant 0 : i32
        %dma_start3A_32 = tpu.memref_slice %arg9[%scan3A_31, %dma_start3A] : memref<160x128xi32, #tpu.memory_space<vmem>> -> memref<1x128xi32, #tpu.memory_space<vmem>>
        %dma_start3A_33 = tpu.memref_squeeze %dma_start3A_32 : memref<1x128xi32, #tpu.memory_space<vmem>> -> memref<128xi32, #tpu.memory_space<vmem>>
        %dma_start3A_34 = arith.constant 0 : i32
        %dma_start3A_35 = arith.constant 0 : i32
        %dma_start3A_36 = tpu.memref_slice %arg7[%dma_start3A_34, %dma_start3A_35] : memref<10240x64xf32, #tpu.memory_space<vmem_shared>> -> memref<10240x64xf32, #tpu.memory_space<vmem_shared>>
        tpu.enqueue_indirect_dma source(%arg11 : memref<128x64xf32, #tpu.memory_space<vmem>>) target(%dma_start3A_36 : memref<10240x64xf32, #tpu.memory_space<vmem_shared>>) offsets(%dma_start3A_33 : memref<128xi32, #tpu.memory_space<vmem>>) semaphore(%run_scoped3A : memref<!tpu.dma_semaphore, #tpu.memory_space<semaphore_mem>>) {add = true}
        %dma_wait3A = arith.constant 0 : i32
        %dma_wait3A_37 = tpu.memref_slice %arg9[%scan3A_31, %dma_wait3A] : memref<160x128xi32, #tpu.memory_space<vmem>> -> memref<1x128xi32, #tpu.memory_space<vmem>>
        %dma_wait3A_38 = tpu.memref_squeeze %dma_wait3A_37 : memref<1x128xi32, #tpu.memory_space<vmem>> -> memref<128xi32, #tpu.memory_space<vmem>>
        %dma_wait3A_39 = arith.constant 0 : i32
        %dma_wait3A_40 = arith.constant 0 : i32
        %dma_wait3A_41 = tpu.memref_slice %arg7[%dma_wait3A_39, %dma_wait3A_40] : memref<10240x64xf32, #tpu.memory_space<vmem_shared>> -> memref<10240x64xf32, #tpu.memory_space<vmem_shared>>
        tpu.wait_indirect_dma semaphore(%run_scoped3A : memref<!tpu.dma_semaphore, #tpu.memory_space<semaphore_mem>>) src(%arg11 : memref<128x64xf32, #tpu.memory_space<vmem>>) dst(%dma_wait3A_41 : memref<10240x64xf32, #tpu.memory_space<vmem_shared>>)
        tpu.yield
      }) : () -> ()
      "tpu.region"() ({
        %run_scoped3A = tpu.sem_alloc : memref<!tpu.dma_semaphore, #tpu.memory_space<semaphore_mem>>
        %dma_start3A = arith.constant 0 : i32
        %dma_start3A_32 = tpu.memref_slice %arg9[%scan3A_31, %dma_start3A] : memref<160x128xi32, #tpu.memory_space<vmem>> -> memref<1x128xi32, #tpu.memory_space<vmem>>
        %dma_start3A_33 = tpu.memref_squeeze %dma_start3A_32 : memref<1x128xi32, #tpu.memory_space<vmem>> -> memref<128xi32, #tpu.memory_space<vmem>>
        %dma_start3A_34 = arith.constant 0 : i32
        %dma_start3A_35 = tpu.memref_slice %arg8[%dma_start3A_34] : memref<10240xf32, #tpu.memory_space<vmem_shared>> -> memref<10240xf32, #tpu.memory_space<vmem_shared>>
        tpu.enqueue_indirect_dma source(%arg12 : memref<128xf32, #tpu.memory_space<vmem>>) target(%dma_start3A_35 : memref<10240xf32, #tpu.memory_space<vmem_shared>>) offsets(%dma_start3A_33 : memref<128xi32, #tpu.memory_space<vmem>>) semaphore(%run_scoped3A : memref<!tpu.dma_semaphore, #tpu.memory_space<semaphore_mem>>) {add = true}
        %dma_wait3A = arith.constant 0 : i32
        %dma_wait3A_36 = tpu.memref_slice %arg9[%scan3A_31, %dma_wait3A] : memref<160x128xi32, #tpu.memory_space<vmem>> -> memref<1x128xi32, #tpu.memory_space<vmem>>
        %dma_wait3A_37 = tpu.memref_squeeze %dma_wait3A_36 : memref<1x128xi32, #tpu.memory_space<vmem>> -> memref<128xi32, #tpu.memory_space<vmem>>
        %dma_wait3A_38 = arith.constant 0 : i32
        %dma_wait3A_39 = tpu.memref_slice %arg8[%dma_wait3A_38] : memref<10240xf32, #tpu.memory_space<vmem_shared>> -> memref<10240xf32, #tpu.memory_space<vmem_shared>>
        tpu.wait_indirect_dma semaphore(%run_scoped3A : memref<!tpu.dma_semaphore, #tpu.memory_space<semaphore_mem>>) src(%arg12 : memref<128xf32, #tpu.memory_space<vmem>>) dst(%dma_wait3A_39 : memref<10240xf32, #tpu.memory_space<vmem_shared>>)
        tpu.yield
      }) : () -> ()
    }
    %scan3A_29 = arith.constant 160 : i32
    %barrier3A_30 = arith.constant 0 : index
    tpu.barrier barrier_id(%barrier3A_30)
    "tpu.region"() ({
      %run_scoped3A = tpu.sem_alloc : memref<!tpu.dma_semaphore, #tpu.memory_space<semaphore_mem>>
      %dma_start3A = arith.constant 0 : i32
      %dma_start3A_31 = tpu.memref_slice %arg5[%arg0, %mul3A_20, %dma_start3A] : memref<2x10240x64xf32, #tpu.memory_space<hbm>> -> memref<1x640x64xf32, #tpu.memory_space<hbm>>
      %dma_start3A_32 = tpu.memref_squeeze %dma_start3A_31 : memref<1x640x64xf32, #tpu.memory_space<hbm>> -> memref<640x64xf32, #tpu.memory_space<hbm>>
      %dma_start3A_33 = arith.constant 0 : i32
      %dma_start3A_34 = tpu.memref_slice %arg7[%mul3A_20, %dma_start3A_33] : memref<10240x64xf32, #tpu.memory_space<vmem_shared>> -> memref<640x64xf32, #tpu.memory_space<vmem_shared>>
      tpu.enqueue_dma source(%dma_start3A_34 : memref<640x64xf32, #tpu.memory_space<vmem_shared>>) target(%dma_start3A_32 : memref<640x64xf32, #tpu.memory_space<hbm>>) target_semaphore(%run_scoped3A : memref<!tpu.dma_semaphore, #tpu.memory_space<semaphore_mem>>)
      %dma_wait3A = arith.constant 0 : i32
      %dma_wait3A_35 = tpu.memref_slice %arg5[%arg0, %mul3A_20, %dma_wait3A] : memref<2x10240x64xf32, #tpu.memory_space<hbm>> -> memref<1x640x64xf32, #tpu.memory_space<hbm>>
      %dma_wait3A_36 = tpu.memref_squeeze %dma_wait3A_35 : memref<1x640x64xf32, #tpu.memory_space<hbm>> -> memref<640x64xf32, #tpu.memory_space<hbm>>
      %dma_wait3A_37 = arith.constant 0 : i32
      %dma_wait3A_38 = tpu.memref_slice %arg7[%mul3A_20, %dma_wait3A_37] : memref<10240x64xf32, #tpu.memory_space<vmem_shared>> -> memref<640x64xf32, #tpu.memory_space<vmem_shared>>
      tpu.wait_dma2 semaphore(%run_scoped3A : memref<!tpu.dma_semaphore, #tpu.memory_space<semaphore_mem>>) src(%dma_wait3A_38 : memref<640x64xf32, #tpu.memory_space<vmem_shared>>) dst(%dma_wait3A_36 : memref<640x64xf32, #tpu.memory_space<hbm>>)
      tpu.yield
    }) : () -> ()
    "tpu.region"() ({
      %run_scoped3A = tpu.sem_alloc : memref<!tpu.dma_semaphore, #tpu.memory_space<semaphore_mem>>
      %dma_start3A = tpu.memref_slice %arg6[%arg0, %mul3A_20] : memref<2x10240xf32, #tpu.memory_space<hbm>> -> memref<1x640xf32, #tpu.memory_space<hbm>>
      %dma_start3A_31 = tpu.memref_squeeze %dma_start3A : memref<1x640xf32, #tpu.memory_space<hbm>> -> memref<640xf32, #tpu.memory_space<hbm>>
      %dma_start3A_32 = tpu.memref_slice %arg8[%mul3A_20] : memref<10240xf32, #tpu.memory_space<vmem_shared>> -> memref<640xf32, #tpu.memory_space<vmem_shared>>
      tpu.enqueue_dma source(%dma_start3A_32 : memref<640xf32, #tpu.memory_space<vmem_shared>>) target(%dma_start3A_31 : memref<640xf32, #tpu.memory_space<hbm>>) target_semaphore(%run_scoped3A : memref<!tpu.dma_semaphore, #tpu.memory_space<semaphore_mem>>)
      %dma_wait3A = tpu.memref_slice %arg6[%arg0, %mul3A_20] : memref<2x10240xf32, #tpu.memory_space<hbm>> -> memref<1x640xf32, #tpu.memory_space<hbm>>
      %dma_wait3A_33 = tpu.memref_squeeze %dma_wait3A : memref<1x640xf32, #tpu.memory_space<hbm>> -> memref<640xf32, #tpu.memory_space<hbm>>
      %dma_wait3A_34 = tpu.memref_slice %arg8[%mul3A_20] : memref<10240xf32, #tpu.memory_space<vmem_shared>> -> memref<640xf32, #tpu.memory_space<vmem_shared>>
      tpu.wait_dma2 semaphore(%run_scoped3A : memref<!tpu.dma_semaphore, #tpu.memory_space<semaphore_mem>>) src(%dma_wait3A_34 : memref<640xf32, #tpu.memory_space<vmem_shared>>) dst(%dma_wait3A_33 : memref<640xf32, #tpu.memory_space<hbm>>)
      tpu.yield
    }) : () -> ()
    return
  }
}

module attributes {stable_mosaic.version = 14 : i64} {
  func.func @body(%arg0: i32, %arg1: memref<2x640x64xf32, #tpu.memory_space<vmem>>, %arg2: memref<2x640xf32, #tpu.memory_space<vmem>>, %arg3: memref<128x128xf32, #tpu.memory_space<vmem>>, %arg4: memref<640x128xf32, #tpu.memory_space<vmem>>) attributes {dimension_semantics = [#tpu.dimension_semantics<arbitrary>], iteration_bounds = array<i64: 16>, scalar_prefetch = 0 : i64, scratch_operands = 0 : i64, tpu.core_type = #tpu.core_type<tc>, window_params = [{transform_indices = @transform_0, window_bounds = array<i64: 2, 640, 64>}, {transform_indices = @transform_1, window_bounds = array<i64: 2, 640>}, {pipeline_mode = #tpu.pipeline_mode<synchronous>, transform_indices = @transform_2, window_bounds = array<i64: 128, 128>}, {transform_indices = @transform_3, window_bounds = array<i64: 640, 128>}]} {
    %get3A = arith.constant 0 : index
    %get3A_0 = arith.constant 0 : index
    %get3A_1 = arith.constant 0 : index
    %get3A_2 = vector.load %arg1[%get3A, %get3A_0, %get3A_1] : memref<2x640x64xf32, #tpu.memory_space<vmem>>, vector<1x640x64xf32>
    %get3A_3 = vector.shape_cast %get3A_2 : vector<1x640x64xf32> to vector<640x64xf32>
    %get3A_4 = arith.constant 1 : index
    %get3A_5 = arith.constant 0 : index
    %get3A_6 = arith.constant 0 : index
    %get3A_7 = vector.load %arg1[%get3A_4, %get3A_5, %get3A_6] : memref<2x640x64xf32, #tpu.memory_space<vmem>>, vector<1x640x64xf32>
    %get3A_8 = vector.shape_cast %get3A_7 : vector<1x640x64xf32> to vector<640x64xf32>
    %concatenate3A = tpu.concatenate %get3A_3, %get3A_8 in 1 : vector<640x64xf32>, vector<640x64xf32> -> vector<640x128xf32>
    %get3A_9 = arith.constant 0 : index
    %get3A_10 = arith.constant 0 : index
    %get3A_11 = vector.load %arg2[%get3A_9, %get3A_10] : memref<2x640xf32, #tpu.memory_space<vmem>>, vector<1x640xf32>
    %get3A_12 = vector.shape_cast %get3A_11 : vector<1x640xf32> to vector<640xf32>
    %max3A = arith.constant 1.000000e+00 : f32
    %max3A_13 = vector.broadcast %max3A : f32 to vector<640xf32>
    %max3A_14 = arith.maximumf %get3A_12, %max3A_13 : vector<640xf32>
    %div3A = arith.constant 1.000000e+00 : f32
    %div3A_15 = vector.broadcast %div3A : f32 to vector<640xf32>
    %div3A_16 = arith.divf %div3A_15, %max3A_14 : vector<640xf32>
    %broadcast_in_dim3A = vector.shape_cast %div3A_16 : vector<640xf32> to vector<640x1xf32>
    %mul3A = vector.broadcast %broadcast_in_dim3A : vector<640x1xf32> to vector<640x128xf32>
    %mul3A_17 = arith.mulf %concatenate3A, %mul3A : vector<640x128xf32>
    %get3A_18 = arith.constant 0 : index
    %get3A_19 = arith.constant 0 : index
    %get3A_20 = vector.load %arg3[%get3A_18, %get3A_19] : memref<128x128xf32, #tpu.memory_space<vmem>>, vector<128x128xf32>
    %dot_general3A = arith.constant dense<0.000000e+00> : vector<640x128xf32>
    %dot_general3A_21 = tpu.matmul %mul3A_17, %get3A_20, %dot_general3A {dimension_numbers = #tpu.dot_dimension_numbers<[1], [0], [0], [1], [0, 0, 1, 1], [], []>, transpose_lhs_hint = false} : vector<640x128xf32>, vector<128x128xf32>, vector<640x128xf32> -> vector<640x128xf32>
    %max3A_22 = arith.constant 0.000000e+00 : f32
    %max3A_23 = vector.broadcast %max3A_22 : f32 to vector<640x128xf32>
    %max3A_24 = arith.maximumf %dot_general3A_21, %max3A_23 : vector<640x128xf32>
    %swap3A = arith.constant 0 : index
    %swap3A_25 = arith.constant 0 : index
    %swap3A_26 = vector.load %arg4[%swap3A, %swap3A_25] : memref<640x128xf32, #tpu.memory_space<vmem>>, vector<640x128xf32>
    tpu.vector_store %arg4[%swap3A, %swap3A_25], %max3A_24 {strides = array<i32>} : memref<640x128xf32, #tpu.memory_space<vmem>>, vector<640x128xf32>,
    return
  }
  func.func @transform_0(%arg0: i32) -> (i32, i32, i32) {
    %c0_i32 = arith.constant 0 : i32
    %c0_i32_0 = arith.constant 0 : i32
    %c0_i32_1 = arith.constant 0 : i32
    return %c0_i32, %arg0, %c0_i32_0 : i32, i32, i32
  }
  func.func @transform_1(%arg0: i32) -> (i32, i32) {
    %c0_i32 = arith.constant 0 : i32
    %c0_i32_0 = arith.constant 0 : i32
    return %c0_i32, %arg0 : i32, i32
  }
  func.func @transform_2(%arg0: i32) -> (i32, i32) {
    %c0_i32 = arith.constant 0 : i32
    %c0_i32_0 = arith.constant 0 : i32
    %c0_i32_1 = arith.constant 0 : i32
    return %c0_i32, %c0_i32_0 : i32, i32
  }
  func.func @transform_3(%arg0: i32) -> (i32, i32) {
    %c0_i32 = arith.constant 0 : i32
    %c0_i32_0 = arith.constant 0 : i32
    return %arg0, %c0_i32 : i32, i32
  }
}

</mosaic_0001>

<sc_bundles>
// kernel: kernel.4.cloned.1.call-start
scs
__scs_entry_jumppad:
0x0: {  	(pc) =	sbr.rel $0x88, $3  }
0x1: {  	(tag) =	ssettag $0x0;
	lr =	simm.s32 $0x1  }
0x2: {  	[smem:$0x3F9E] =	sst lr;
	_ =	strace $0xD0000000  }
0x3: {  	_ = 	snop  }
0x4: {  	_ = 	snop  }
0x5: {  	_ = 	snop  }
0x6: {  	_ = 	snop  }
0x7: {  	_ = 	snop  }
__scs_overlays_trampoline_lowered:
0x8: {  	[smem:$0x3FAD] =	sst s0  }
0x9: {  	[smem:$0x3FAE] =	sst s1  }
0xa: {  	[smem:$0x3FAF] =	sst s2  }
0xb: {  	[smem:$0x3FB0] =	sst s3  }
0xc: {  	[smem:$0x3FB1] =	sst s4  }
0xd: {  	[smem:$0x3FB2] =	sst s5  }
0xe: {  	[smem:$0x3FB3] =	sst s6  }
0xf: {  	[smem:$0x3FB4] =	sst s7  }
0x10: {  	[smem:$0x3FB5] =	sst s8  }
0x11: {  	[smem:$0x3FB6] =	sst s9;
	s0 =	simm.s32 @!p0 $0x0  }
0x12: {  	s1 =	sld [smem:$0x3F9C];
	s0 =	simm.s32 @p0 $0x1  }
0x13: {  	[smem:$0x3FB7] =	sst s0;
	s0 =	simm.s32 @!p1 $0x0  }
0x14: {  	s2 =	sld [smem:$0x3F9B];
	s0 =	simm.s32 @p1 $0x1  }
0x15: {  	[smem:$0x3FB8] =	sst s0;
	s0 =	simm.s32 @!p2 $0x0  }
0x16: {  	s3 =	sld [smem:$0x3FDB];
	s0 =	simm.s32 @p2 $0x1  }
0x17: {  	s4 =	simm.s32 $0x1BF5;
	[smem:$0x3FBA] =	sst s0  }
0x18: {  	s0 =	sld [smem:$0x3F9D];
	_ =	swait.ge [sflag:s4], $0x0  }
0x19: {  	s7 =	sld [smem:$0x3F9E]  }
0x1a: {  	s8 =	sadd.s32 $0xFFFFE003, lr  }
0x1b: {  	s9 =	sadd.s32 $0xFFFFFEF7, lr;
	s5 =	simm.s32 $0xFFFFFFFF;
	p2 =	slt.u32 s8, $0xFFFFF086  }
0x1c: {  	p1 =	slt.u32 s9, $0xF7A;
	s5 =	simm.s32 @!p2 $0x0  }
0x1d: {  	s5 =	simm.s32 @p1 $0x1;
	p0 =	seq.s32 s7, s2  }
0x1e: {  	s7 =	smul.u32 @!p0 $0xF7A, s2;
	p2 =	seq.s32 @!p0 s5, $0x0  }
0x1f: {  	s9 =	smul.u32 $0xF7A, s1;
	s8 =	simm.s32 @!p0 $0x1BF5;
	p2 =	por !p2, p0  }
0x20: {  	[sflag:s8] =	ssyncset.s32 @!p0 $0xFFFFF086;
	s6 =	sadd.s32 @!p0 s3, s7;
	s7 =	simm.s32 @!p0 $0x108  }
0x21: {  	s3 =	sadd.s32 s3, s9;
	s6 =	sadd.s32 @!p0 $0x88, s6;
	s7 =	simm.s32 @p2 $0x1082  }
0x22: {  	[simem:s7], [sflag:s8] =	dma.local @!p0 [hbm:s6], $0xF7A  }
0x23: {  	s9 =	sor.u32 $0xD0000000, s2;
	s6 =	simm.s32 $0x108;
	_ =	swait.ge @!p0 [sflag:s8], $0x0  }
0x24: {  	s3 =	sadd.s32 $0x88, s3;
	s6 =	simm.s32 @!p1 $0x1082;
	[sflag:s4] =	ssyncset.s32 $0xFFFFF086  }
0x25: {  	[simem:s6], [sflag:s4] =	dma.local [hbm:s3], $0xF7A  }
0x26: {  	[smem:$0x3F9E] =	sst s1;
	(tag) =	ssettag s2;
	_ =	strace s9  }
0x27: {  	s1 =	sld [smem:$0x3FAE]  }
0x28: {  	s2 =	sld [smem:$0x3FAF]  }
0x29: {  	s4 =	sld [smem:$0x3FB1]  }
0x2a: {  	p0 =	seq.s32 s5, $0x0;
	s5 =	sld [smem:$0x3FB2]  }
0x2b: {  	s6 =	sld [smem:$0x3FB3]  }
0x2c: {  	s7 =	sld [smem:$0x3FB4]  }
0x2d: {  	s3 =	simm.s32 $0x108;
	s8 =	sld [smem:$0x3FB5]  }
0x2e: {  	s3 =	simm.s32 @!p0 $0x1082;
	s9 =	sld [smem:$0x3FB6]  }
0x2f: {  	lr =	sadd.s32 s0, s3;
	s0 =	sld [smem:$0x3FAD]  }
0x30: {  	s3 =	sld [smem:$0x3FB0]  }
0x31: {  	[smem:$0x3FB9] =	sst s10  }
0x32: {  	s10 =	sld [smem:$0x3FB7];
	_ =	sdelay $0x3  }
0x33: {  	p0 =	seq.s32 s10, $0x1;
	s10 =	sld [smem:$0x3FB9];
	_ =	sdelay $0x3  }
0x34: {  	[smem:$0x3FB9] =	sst s10  }
0x35: {  	s10 =	sld [smem:$0x3FB8];
	_ =	sdelay $0x3  }
0x36: {  	p1 =	seq.s32 s10, $0x1;
	s10 =	sld [smem:$0x3FB9];
	_ =	sdelay $0x3  }
0x37: {  	[smem:$0x3FB9] =	sst s10  }
0x38: {  	s10 =	sld [smem:$0x3FBA]  }
0x39: {  	_ = 	snop;
	(pc) =	sbr.ind lr, $3  }
0x3a: {  	_ = 	snop  }
0x3b: {  	_ = 	snop  }
0x3c: {  	p2 =	seq.s32 s10, $0x1;
	s10 =	sld [smem:$0x3FB9]  }
0x3d: {  	_ =	shalt  }
0x3e: {  	_ =	shalt  }
0x3f: {  	_ =	shalt  }
0x40: {  	_ =	shalt  }
0x41: {  	_ =	shalt  }
0x42: {  	_ =	shalt  }
0x43: {  	_ =	shalt  }
0x44: {  	_ =	shalt  }
0x45: {  	_ =	shalt  }
0x46: {  	_ =	shalt  }
0x47: {  	_ =	shalt  }
0x48: {  	_ =	shalt  }
0x49: {  	_ =	shalt  }
0x4a: {  	_ =	shalt  }
0x4b: {  	_ =	shalt  }
0x4c: {  	_ =	shalt  }
0x4d: {  	_ =	shalt  }
0x4e: {  	_ =	shalt  }
0x4f: {  	_ =	shalt  }
0x50: {  	_ =	shalt  }
0x51: {  	_ =	shalt  }
0x52: {  	_ =	shalt  }
0x53: {  	_ =	shalt  }
0x54: {  	_ =	shalt  }
0x55: {  	_ =	shalt  }
0x56: {  	_ =	shalt  }
0x57: {  	_ =	shalt  }
0x58: {  	_ =	shalt  }
0x59: {  	_ =	shalt  }
0x5a: {  	_ =	shalt  }
0x5b: {  	_ =	shalt  }
0x5c: {  	_ =	shalt  }
0x5d: {  	_ =	shalt  }
0x5e: {  	_ =	shalt  }
0x5f: {  	_ =	shalt  }
0x60: {  	_ =	shalt  }
0x61: {  	_ =	shalt  }
0x62: {  	_ =	shalt  }
0x63: {  	_ =	shalt  }
0x64: {  	_ =	shalt  }
0x65: {  	_ =	shalt  }
0x66: {  	_ =	shalt  }
0x67: {  	_ =	shalt  }
0x68: {  	_ =	shalt  }
0x69: {  	_ =	shalt  }
0x6a: {  	_ =	shalt  }
0x6b: {  	_ =	shalt  }
0x6c: {  	_ =	shalt  }
0x6d: {  	_ =	shalt  }
0x6e: {  	_ =	shalt  }
0x6f: {  	_ =	shalt  }
0x70: {  	_ =	shalt  }
0x71: {  	_ =	shalt  }
0x72: {  	_ =	shalt  }
0x73: {  	_ =	shalt  }
0x74: {  	_ =	shalt  }
0x75: {  	_ =	shalt  }
0x76: {  	_ =	shalt  }
0x77: {  	_ =	shalt  }
0x78: {  	_ =	shalt  }
0x79: {  	_ =	shalt  }
0x7a: {  	_ =	shalt  }
0x7b: {  	_ =	shalt  }
0x7c: {  	_ =	shalt  }
0x7d: {  	_ =	shalt  }
0x7e: {  	_ =	shalt  }
0x7f: {  	_ =	shalt  }
0x80: {  	_ =	shalt  }
0x81: {  	_ =	shalt  }
0x82: {  	_ =	shalt  }
0x83: {  	_ =	shalt  }
0x84: {  	_ =	shalt  }
0x85: {  	_ =	shalt  }
0x86: {  	_ =	shalt  }
0x87: {  	_ =	shalt  }
.Lfunc_end0:
.L_simem_size_0:
called_computation_lowered:
.L_overlay_start_0:
0x88: {  	s2 =	sld [smem:$0x3FD9]  }
0x89: {  	s3 =	sld [smem:$0x3FFE];
	_ =	sdelay $0x1  }
0x8a: {  	s1 =	srdreg.scid  }
0x8b: {  	s0 =	sand.u32 $0x1, s1  }
0x8c: {  	s17 =	sshll.u32 s0, $0xA;
	s2 =	sadd.s32 s3, s2  }
0x8d: {  	s2 =	sadd.s32 s2, s17  }
0x8e: {  	[smem:$0x3FC5] =	sst s2  }
0x8f: {  	_ = 	snop  }
0x90: {  	s2 =	sld [smem:$0x3FD0];
	(tm) =	ssettm $0x1  }
0x91: {  	s18 =	sld [smem:$0x3FFB];
	_ =	sdelay $0x3  }
0x92: {  	_ =	strace s18  }
0x93: {  	s3 =	sld [smem:$0x3FFC];
	_ =	sdelay $0x3  }
0x94: {  	_ =	strace s3  }
0x95: {  	s3 =	sld [smem:$0x3FFD];
	_ =	sdelay $0x3  }
0x96: {  	_ =	strace s3  }
0x97: {  	_ =	strace $0x8FFFFFFF  }
0x98: {  	s19 =	sld [smem:$0x3FDB];
	_ =	sdelay $0x1  }
0x99: {  	s4 =	simm.s32 $_scs_section_size  }
0x9a: {  	s5 =	simm.s32 $_size__tile_overlayer_lowered;
	s6 =	simm.s32 $_tile_overlayer_lowered  }
0x9b: {  	s22 =	simm.s32 $0x1BFF;
	s21 =	sshll.u32 s6, $0x1;
	s3 =	sadd.s32 s4, s19  }
0x9c: {  	s7 =	simm.s32 $0x0;
	s20 =	sshll.u32 s5, $0x1;
	s5 =	sadd.s32 s21, s3  }
0x9d: {  	[timem:s7], [sflag:s22] =	dma.local [hbm:s5], s20  }
0x9e: {  	_ =	swait.ge [sflag:s22], s20  }
0x9f: {  	s4 =	ssub.s32 $0x0, s20;
	[sflag:s22] =	ssyncset.done $0x0  }
0xa0: {  	[sflag:s22] =	ssyncadd.s32 s4;
	_ =	sdelay $0x1  }
0xa1: {  	s23 =	simm.s32 $0x1B8B  }
0xa2: {  	_ =	swait.ge [sflag:s23], $0x1  }
0xa3: {  	[sflag:s23] =	ssyncset.done $0x0  }
0xa4: {  	s25 =	simm.s32 $0x1B8E;
	s24 =	sld [smem:$0x3FFE];
	[sflag:s23] =	ssyncadd.s32 $0xFFFFFFFF  }
0xa5: {  	s26 =	simm.s32 $execute0_lowered;
	[smem:$0x3FD2] =	sst s25  }
0xa6: {  	s5 =	sshll.u32 s26, $0x1;
	_ =	strace $0x80000046;
	[dreg:$0x1] =	wrdreg $0xFFFFFFFF  }
0xa7: {  	s28 =	simm.s32 $_size_execute0_lowered;
	s3 =	sadd.s32 s3, s5;
	[dreg:$0x0] =	wrdreg $0x0  }
0xa8: {  	s5 =	sshll.u32 s28, $0x1;
	[dreg:$0x2] =	wrdreg s3  }
0xa9: {  	[dreg:$0x3] =	wrdreg s5  }
0xaa: {  	[dreg:$0x4] =	wrdreg $0xC0  }
0xab: {  	_ =	task [dreg:s7], $0x5FFFF  }
0xac: {  	[dreg:$0x1] =	wrdreg $0xFFFFFFFF  }
0xad: {  	[dreg:$0x0] =	wrdreg $0x60  }
0xae: {  	[dreg:$0x2] =	wrdreg s2  }
0xaf: {  	[dreg:$0x3] =	wrdreg s24  }
0xb0: {  	[dreg:$0x4] =	wrdreg $0x0  }
0xb1: {  	[dreg:$0x5] =	wrdreg $0xA0000  }
0xb2: {  	[dreg:$0x6] =	wrdreg $0x9  }
0xb3: {  	_ =	task.clear_ibuf [dreg:s7], $0x7FFFF;
	_ =	strace $0x90000046  }
0xb4: {  	s29 =	simm.s32 $0x9;
	_ =	strace $0x80000048  }
0xb5: {  	_ =	swait.ge [sflag:s29], $0x1  }
0xb6: {  	[sflag:s29] =	ssyncadd.s32 $0xFFFFFFFF  }
0xb7: {  	_ =	strace $0x90000048  }
0xb8: {  	_ =	sfence  }
0xb9: {  	s30 =	sld [smem:$0x0];
	_ =	sdelay $0x2  }
0xba: {  	s31 =	sshll.u32 s1, $0xD;
	s1 =	sshrl.u32 s1, $0x2  }
0xbb: {  	s3 =	sand.u32 $0x4000, s31;
	s1 =	sadd.s32 s1, s30  }
0xbc: {  	s0 =	sor.u32 s3, s0;
	s1 =	sshll.u32 s1, $0x11  }
0xbd: {  	s0 =	sor.u32 s1, s0  }
0xbe: {  	s0 =	sadd.s32 $0x8F2B, s0  }
0xbf: {  	[sflag:s0] =	ssyncadd.remote.s32 $0x1  }
0xc0: {  	_ =	sfence.sel $0xFFFF  }
0xc1: {  	[dreg:$0x0] =	wrdreg $0xFFFFFFFF;
	(pc) =	sbr.abs _section_cstart, $3  }
0xc2: {  	[dreg:$0x1] =	wrdreg $0xFFFFFFFF  }
0xc3: {  	_ =	task.clear_ibuf [dreg:s7], $0x2FFFF;
	_ =	strace $0x9FFFFFFF  }
0xc4: {  	(tm) =	ssettm $0x7FFFFFFF  }
0xc5: {  	_ =	shalt  }
tec
execute0_lowered:
.L_overlay_start_1:
0x0: {  	(tag) =	ssettag $0x1  }
0x1: {  	s10 =	rddreg [dreg:$0x0]  }
0x2: {  	s5 =	rddreg [dreg:$0x1]  }
0x3: {  	s1 =	rddreg [dreg:$0x2]  }
0x4: {  	s0 =	stileid.u32;
	s2 =	srdreg.scid  }
0x5: {  	s3 =	rddreg [dreg:$0x3];
	s4 =	simm.s32 $0x0;
	s6 =	smul.u32 $0xA00, s0  }
0x6: {  	s17 =	simm.s32 $0xA280;
	s18 =	simm.s32 $0xF280;
	s8 =	smul.u32 $0xA000, s0  }
0x7: {  	s19 =	simm.s32 $0x80;
	s20 =	simm.s32 $0x14280;
	s11 =	smul.u32 $0x280, s0  }
0x8: {  	s7 =	sand.u32 $0x1, s2;
	s2 =	rddreg [dreg:$0x4];
	s26 =	smul.u32 $0x28000, s0  }
0x9: {  	s21 =	simm.s32 $0x16280;
	[smem:$0x7FF] =	sst s4;
	s9 =	smul.u32 $0xA0000, s7  }
0xa: {  	_ =	strace $0x80000047;
	s12 =	smul.u32 $0x2800, s7;
	s29 =	ssub.s32 $0x2, s7  }
0xb: {  	s31 =	smul.u32 $0x13880, s7;
	s13 =	sadd.s32 s6, s5;
	s15 =	sshrl.u32 s29, $0x1  }
0xc: {  	s7 =	sadd.s32 s11, s3;
	s9 =	sadd.s32 s8, s9;
	s28 =	sadd.s32 s11, s12  }
0xd: {  	s15 =	ssub.s32 s29, s15;
	s10 =	sadd.s32 s10, s31;
	s25 =	sshrl.u32 s9, $0x3  }
0xe: {  	s6 =	sshrl.u32 s28, $0x3;
	s9 =	sshrl.u32 s26, $0x2;
	s14 =	sadd.s32 s25, s5  }
0xf: {  	s16 =	sadd.s32 s6, s5;
	s30 =	sadd.s32 s9, s1;
	s5 =	sadd.s32 s8, s1  }
0x10: {  	s8 =	sadd.s32 $0x600, s13;
	s9 =	sadd.s32 $0xA600, s13;
	s13 =	smax.u32 s15, $0x1  }
0x11: {  	s15 =	simm.s32 $0x1;
	s6 =	sadd.s32 $0x5000, s30;
	s11 =	sadd.s32 $0x14600, s14  }
0x12: {  	v0 =	vimm.f32 $0.0e+00;
	v1 =	vimm.f32 $1.000000000e+00;
	s12 =	sadd.s32 $0x3C600, s16;
	s14 =	simm.s32 $0x16300;
	s16 =	simm.s32 $0x1B300  }
.LBB2_1:
0x13: {  	s23 =	simm.s32 $0x100;
	s22 =	simm.s32 $0x0  }
.LBB2_2:
0x14: {  	p0 =	sne.s32 s23, $0x13F00;
	[tilespmem:s22+$0x16330] =	vst v0;
	s24 =	smov.u32 s23;
	s23 =	sadd.s32 $0x100, s23  }
.Ltmp0:
0x15: {  	[tilespmem:s22+$0x16320] =	vst v0;
	(pc) =	sbr.rel @p0 .LBB2_2-.Ltmp0, $3  }
0x16: {  	[tilespmem:s22+$0x16300] =	vst v0  }
0x17: {  	[tilespmem:s22+$0x16310] =	vst v0;
	_ =	sdelay $0x1  }
0x18: {  	s22 =	sshra.s32 s24, $0x2  }
0x19: {  	[tilespmem:s22+$0x16330] =	vst v0  }
0x1a: {  	[tilespmem:s22+$0x16320] =	vst v0  }
0x1b: {  	[tilespmem:s22+$0x16300] =	vst v0  }
0x1c: {  	[tilespmem:s22+$0x16310] =	vst v0  }
0x1d: {  	[tilespmem:$0x1B300] =	vst v0  }
0x1e: {  	[tilespmem:$0x1B310] =	vst v0  }
0x1f: {  	[tilespmem:$0x1B320] =	vst v0  }
0x20: {  	[tilespmem:$0x1B330] =	vst v0  }
0x21: {  	[tilespmem:$0x1B340] =	vst v0  }
0x22: {  	[tilespmem:$0x1B350] =	vst v0  }
0x23: {  	[tilespmem:$0x1B360] =	vst v0  }
0x24: {  	[tilespmem:$0x1B370] =	vst v0  }
0x25: {  	[tilespmem:$0x1B380] =	vst v0  }
0x26: {  	[tilespmem:$0x1B390] =	vst v0  }
0x27: {  	[tilespmem:$0x1B3A0] =	vst v0  }
0x28: {  	[tilespmem:$0x1B3B0] =	vst v0  }
0x29: {  	[tilespmem:$0x1B3C0] =	vst v0  }
0x2a: {  	[tilespmem:$0x1B3D0] =	vst v0  }
0x2b: {  	[tilespmem:$0x1B3E0] =	vst v0  }
0x2c: {  	[tilespmem:$0x1B3F0] =	vst v0  }
0x2d: {  	[tilespmem:$0x1B400] =	vst v0  }
0x2e: {  	[tilespmem:$0x1B410] =	vst v0  }
0x2f: {  	[tilespmem:$0x1B420] =	vst v0  }
0x30: {  	[tilespmem:$0x1B430] =	vst v0  }
0x31: {  	[tilespmem:$0x1B440] =	vst v0  }
0x32: {  	[tilespmem:$0x1B450] =	vst v0  }
0x33: {  	[tilespmem:$0x1B460] =	vst v0  }
0x34: {  	[tilespmem:$0x1B470] =	vst v0  }
0x35: {  	[tilespmem:$0x1B480] =	vst v0  }
0x36: {  	[tilespmem:$0x1B490] =	vst v0  }
0x37: {  	[tilespmem:$0x1B4A0] =	vst v0  }
0x38: {  	[tilespmem:$0x1B4B0] =	vst v0  }
0x39: {  	[tilespmem:$0x1B4C0] =	vst v0  }
0x3a: {  	[tilespmem:$0x1B4D0] =	vst v0  }
0x3b: {  	[tilespmem:$0x1B4E0] =	vst v0  }
0x3c: {  	[tilespmem:$0x1B4F0] =	vst v0  }
0x3d: {  	[tilespmem:$0x1B500] =	vst v0  }
0x3e: {  	[tilespmem:$0x1B510] =	vst v0  }
0x3f: {  	[tilespmem:$0x1B520] =	vst v0  }
0x40: {  	[tilespmem:$0x1B530] =	vst v0  }
0x41: {  	[tilespmem:$0x1B540] =	vst v0  }
0x42: {  	[tilespmem:$0x1B550] =	vst v0  }
0x43: {  	[tilespmem:$0x1B560] =	vst v0  }
0x44: {  	[tilespmem:$0x1B570] =	vst v0  }
0x45: {  	[tilespmem:$0x16280] =	vst v1  }
0x46: {  	[tilespmem:$0x16290] =	vst v1  }
0x47: {  	[tilespmem:$0x162A0] =	vst v1  }
0x48: {  	[tilespmem:$0x162B0] =	vst v1  }
0x49: {  	[tilespmem:$0x162C0] =	vst v1  }
0x4a: {  	[tilespmem:$0x162D0] =	vst v1  }
0x4b: {  	[tilespmem:$0x162E0] =	vst v1  }
0x4c: {  	[tilespmem:$0x162F0] =	vst v1  }
0x4d: {  	[spmem:s5] =	stream.linear.scatter [tilespmem:s14], [sflag:$0x1], $0x5000, $0x38;
	[tilespmem:$0x1B580] =	vst v63  }
0x4e: {  	_ =	swait.ge [sflag:s15], $0x5000  }
0x4f: {  	[sflag:s15] =	ssyncset.done $0x0  }
0x50: {  	[sflag:s15] =	ssyncadd.s32 $0xFFFFB000  }
0x51: {  	[spmem:s6] =	stream.linear.scatter [tilespmem:s14], [sflag:$0x1], $0x5000, $0x38;
	[tilespmem:$0x1B580] =	vst v63  }
0x52: {  	_ =	swait.ge [sflag:s15], $0x5000  }
0x53: {  	[sflag:s15] =	ssyncset.done $0x0  }
0x54: {  	[sflag:s15] =	ssyncadd.s32 $0xFFFFB000  }
0x55: {  	[spmem:s7] =	stream.linear.scatter [tilespmem:s16], [sflag:$0x1], $0x280, $0x38;
	[tilespmem:$0x1B580] =	vst v63  }
0x56: {  	_ =	swait.ge [sflag:s15], $0x280  }
0x57: {  	[sflag:s15] =	ssyncset.done $0x0  }
0x58: {  	s29 =	simm.s32 $0x0;
	[sflag:s15] =	ssyncadd.s32 $0xFFFFFD80  }
0x59: {  	[tilespmem:s17], [sflag:$0x1] =	stream.linear.gather [hbm4b:s8+s29], $0x5000, $0x38;
	[tilespmem:$0x1B580] =	vst v63  }
0x5a: {  	_ =	swait.ge [sflag:s15], $0x5000  }
0x5b: {  	[sflag:s15] =	ssyncset.done $0x0  }
0x5c: {  	[sflag:s15] =	ssyncadd.s32 $0xFFFFB000  }
0x5d: {  	[tilespmem:s18], [sflag:$0x1] =	stream.linear.gather [hbm4b:s9+s29], $0x5000, $0x38;
	[tilespmem:$0x1B580] =	vst v63  }
0x5e: {  	_ =	swait.ge [sflag:s15], $0x5000  }
0x5f: {  	[sflag:s15] =	ssyncset.done $0x0  }
0x60: {  	[sflag:s15] =	ssyncadd.s32 $0xFFFFB000  }
0x61: {  	s30 =	simm.s32 $0xF280;
	[bflag:$0x0] =	sbarrier.arrive $0xFFFF  }
0x62: {  	[tilespmem:s20], [sflag:$0x1] =	stream.indirect.gather [hbm4b:s10+s19], $0x40, s30, s19, $0xb8;
	[tilespmem:$0x1B580] =	vst v63  }
0x63: {  	_ =	swait.ge [sflag:s15], $0x2000  }
0x64: {  	[sflag:s15] =	ssyncset.done $0x0  }
0x65: {  	s31 =	simm.s32 $0xA280;
	[sflag:s15] =	ssyncadd.s32 $0xFFFFE000  }
0x66: {  	[spmem:s1] =	stream.indirect.scatter.add.f32 [tilespmem:s20], [sflag:$0x1], $0x40, s31, s19, $0xb8;
	[tilespmem:$0x1B580] =	vst v63  }
0x67: {  	_ =	swait.ge [sflag:s15], $0x2000  }
0x68: {  	[sflag:s15] =	ssyncset.done $0x0  }
0x69: {  	[sflag:s15] =	ssyncadd.s32 $0xFFFFE000  }
0x6a: {  	[spmem:s3] =	stream.indirect.scatter.add.f32 [tilespmem:s21], [sflag:$0x1], $0x1, s31, s19, $0xb8;
	[tilespmem:$0x1B580] =	vst v63  }
0x6b: {  	_ =	swait.ge [sflag:s15], $0x80  }
0x6c: {  	s23 =	simm.s32 $0x400;
	s22 =	simm.s32 $0x80;
	[sflag:s15] =	ssyncset.done $0x0  }
.LBB2_4:
0x6d: {  	s24 =	sadd.s32 $0xF280, s22  }
0x6e: {  	[sflag:s15] =	ssyncadd.s32 $0xFFFFFF80;
	s25 =	smov.u32 s23;
	s26 =	sadd.s32 $0x200, s23  }
0x6f: {  	[tilespmem:s20], [sflag:$0x1] =	stream.indirect.gather [hbm4b:s10+s19], $0x40, s24, s19, $0xb8;
	[tilespmem:$0x1B580] =	vst v63  }
0x70: {  	p0 =	sne.s32 s23, $0x13E00;
	_ =	swait.ge [sflag:s15], $0x2000  }
0x71: {  	[sflag:s15] =	ssyncset.done $0x0  }
0x72: {  	s22 =	sadd.s32 $0xA280, s22;
	[sflag:s15] =	ssyncadd.s32 $0xFFFFE000  }
0x73: {  	[spmem:s1] =	stream.indirect.scatter.add.f32 [tilespmem:s20], [sflag:$0x1], $0x40, s22, s19, $0xb8;
	[tilespmem:$0x1B580] =	vst v63  }
0x74: {  	_ =	swait.ge [sflag:s15], $0x2000  }
.Ltmp1:
0x75: {  	[sflag:s15] =	ssyncset.done $0x0;
	(pc) =	sbr.rel @p0 .LBB2_4-.Ltmp1, $4  }
0x76: {  	[sflag:s15] =	ssyncadd.s32 $0xFFFFE000  }
0x77: {  	[spmem:s3] =	stream.indirect.scatter.add.f32 [tilespmem:s21], [sflag:$0x1], $0x1, s22, s19, $0xb8;
	[tilespmem:$0x1B580] =	vst v63  }
0x78: {  	_ =	swait.ge [sflag:s15], $0x80  }
0x79: {  	s23 =	smov.u32 s26;
	s22 =	sshra.s32 s25, $0x2;
	[sflag:s15] =	ssyncset.done $0x0  }
0x7a: {  	s23 =	sadd.s32 $0xF280, s22;
	[sflag:s15] =	ssyncadd.s32 $0xFFFFFF80  }
0x7b: {  	[tilespmem:s20], [sflag:$0x1] =	stream.indirect.gather [hbm4b:s10+s19], $0x40, s23, s19, $0xb8;
	[tilespmem:$0x1B580] =	vst v63  }
0x7c: {  	_ =	swait.ge [sflag:s15], $0x2000  }
0x7d: {  	[sflag:s15] =	ssyncset.done $0x0  }
0x7e: {  	s28 =	sadd.s32 $0xA280, s22;
	[sflag:s15] =	ssyncadd.s32 $0xFFFFE000  }
0x7f: {  	[spmem:s1] =	stream.indirect.scatter.add.f32 [tilespmem:s20], [sflag:$0x1], $0x40, s28, s19, $0xb8;
	[tilespmem:$0x1B580] =	vst v63  }
0x80: {  	_ =	swait.ge [sflag:s15], $0x2000  }
0x81: {  	[sflag:s15] =	ssyncset.done $0x0  }
0x82: {  	[sflag:s15] =	ssyncadd.s32 $0xFFFFE000  }
0x83: {  	[spmem:s3] =	stream.indirect.scatter.add.f32 [tilespmem:s21], [sflag:$0x1], $0x1, s28, s19, $0xb8;
	[tilespmem:$0x1B580] =	vst v63  }
0x84: {  	_ =	swait.ge [sflag:s15], $0x80  }
0x85: {  	[sflag:s15] =	ssyncset.done $0x0  }
0x86: {  	s29 =	sshll.u32 s0, $0x6;
	[sflag:s15] =	ssyncadd.s32 $0xFFFFFF80  }
0x87: {  	s30 =	sshrl.u32 s5, $0x3;
	s22 =	sor.u32 $0x1C01, s29;
	[bflag:$0x0] =	sbarrier.arrive $0xFFFF  }
0x88: {  	[hbm:s11], [sflag:s22] =	dma.local [spmem:s30], $0x1400  }
0x89: {  	s4 =	sadd.s32 $0x1, s4;
	_ =	swait.ge [sflag:s15], $0x1400  }
0x8a: {  	p0 =	sne.s32 s4, s13;
	[sflag:s15] =	ssyncset.done $0x0  }
.Ltmp2:
0x8b: {  	s31 =	sshrl.u32 s7, $0x3;
	[sflag:s15] =	ssyncadd.s32 $0xFFFFEC00;
	(pc) =	sbr.rel @p0 .LBB2_1-.Ltmp2, $4  }
0x8c: {  	[hbm:s12], [sflag:s22] =	dma.local [spmem:s31], $0x50  }
0x8d: {  	_ =	swait.ge [sflag:s15], $0x50  }
0x8e: {  	[sflag:s15] =	ssyncset.done $0x0  }
0x8f: {  	[sflag:s15] =	ssyncadd.s32 $0xFFFFFFB0  }
0x90: {  	_ =	sfence.sel $0x180000  }
0x91: {  	[bflag:$0x0] =	sbarrier.arrive $0xFFFF  }
0x92: {  	p0 =	sne.s32 s0, $0x0;
	_ =	strace $0x90000047  }
0x93: {  	s0 =	sadd.s32 @!p0 $0x100000, s2;
	[bflag:$0x2] =	sbarrier.arrive $0xFFFF  }
0x94: {  	[sflag:s0] =	ssyncadd.tile.s32 @!p0 $0x1;
	_ =	shalt  }
.Lfunc_end2:
_tile_overlayer_lowered:
.L_overlay_start_2:
0x95: {  	(tag) =	ssettag $0x2  }
0x96: {  	s0 =	rddreg [dreg:$0x0];
	s2 =	stileid.u32  }
0x97: {  	s1 =	rddreg [dreg:$0x1];
	p0 =	sne.s32 s2, $0x0  }
0x98: {  	s3 =	rddreg [dreg:$0x2];
	[bflag:$0x3] =	sbarrier.arrive $0xFFFF;
	s2 =	simm.s32 @!p0 $0x1C01  }
0x99: {  	[timem:s3], [sflag:s2] =	dma.local @!p0 [hbm:s0], s1  }
0x9a: {  	s0 =	simm.s32 @!p0 $0x1  }
0x9b: {  	_ =	swait.ge @!p0 [sflag:s0], s1  }
0x9c: {  	s1 =	ssub.s32 @!p0 $0x0, s1;
	[sflag:s0] =	ssyncset.done @!p0 $0x0  }
0x9d: {  	[sflag:s0] =	ssyncadd.s32 @!p0 s1  }
0x9e: {  	[bflag:$0x3] =	sbarrier.arrive $0xFFFF  }
0x9f: {  	_ =	shalt  }

</sc_bundles>
